<compile_context>
chip_gen: v7x
topology: tpu7x:2x2x1
jax: 0.10.2.dev20260603
libtpu: 0.0.44.dev20260713+nightly
codegen_flags: <defaults>
</compile_context>

<pallas_src>
import math

import jax
import jax.numpy as jnp
from jax import lax
from jax.experimental import pallas as pl
from jax.experimental.pallas import tpu as pltpu
from jax.experimental.pallas import tpu_sc as plsc

D = 128
SCALE = math.sqrt(float(D))
L = 16

_info = plsc.get_sparse_core_info()
NC, NS = _info.num_cores, _info.num_subcores
NW = NC * NS

B = 4096 * 50
BPW = B // NW
C = 128
NCH = BPW // C
IDX_ROWS = B // C


def _body(x_hbm, table_hbm, out_hbm, idx_v, g0, g1, sem0, sem1):
    wid = lax.axis_index("s") * NC + lax.axis_index("c")
    idx_row0 = wid * NCH

    pltpu.sync_copy(x_hbm.at[wid], idx_v)

    def start_gather(j, buf, sem):
        pltpu.make_async_copy(table_hbm.at[idx_v.at[j]], buf, sem).start()

    def wait_gather(j, buf, sem):
        pltpu.make_async_copy(table_hbm.at[idx_v.at[j]], buf, sem).wait()

    def scale_buf(buf):
        def row(r, carry):
            for c in range(D // L):
                sl = pl.ds(c * L, L)
                buf[r, sl] = buf[r, sl] * SCALE
            return carry
        lax.fori_loop(0, C, row, 0)

    def copy_out(j, buf):
        base = (idx_row0 + j) * C
        pltpu.sync_copy(buf, out_hbm.at[pl.ds(base, C)])

    start_gather(0, g0, sem0)
    start_gather(1, g1, sem1)

    def outer(i, carry):
        j0 = 2 * i
        j1 = j0 + 1

        wait_gather(j0, g0, sem0)
        scale_buf(g0)
        copy_out(j0, g0)

        @pl.when(j0 + 2 < NCH)
        def _():
            start_gather(j0 + 2, g0, sem0)

        wait_gather(j1, g1, sem1)
        scale_buf(g1)
        copy_out(j1, g1)

        @pl.when(j1 + 2 < NCH)
        def _():
            start_gather(j1 + 2, g1, sem1)

        return carry

    lax.fori_loop(0, NCH // 2, outer, 0)


def kernel(x, table):
    xf = x.reshape(-1).astype(jnp.int32).reshape(NW, NCH, C)
    mesh = plsc.VectorSubcoreMesh(core_axis_name="c", subcore_axis_name="s")
    out = pl.kernel(
        _body,
        mesh=mesh,
        out_type=jax.ShapeDtypeStruct((B, D), jnp.float32),
        scratch_types=[
            pltpu.VMEM((NCH, C), jnp.int32),
            pltpu.VMEM((C, D), jnp.float32),
            pltpu.VMEM((C, D), jnp.float32),
            pltpu.SemaphoreType.DMA,
            pltpu.SemaphoreType.DMA,
        ],
    )(xf, table)
    return out.reshape(4096, 50, D)

# --- scband reference (transcript-rebuilt; emitter-appended) ---
"""Pipeline reference for scband-embedding-16741782519927 (READ-ONLY COPY).

The authoritative reference and input builder live on the scoring server;
editing this copy changes nothing except your own understanding.
"""

import jax, jax.numpy as jnp
import numpy as np
import math

VOCAB = 100000
D_MODEL = 128

def setup_inputs(seed: int = 0) -> dict:
    key = jax.random.key(seed)
    k1, k2 = jax.random.split(key)
    x = jax.random.randint(k1, (4096, 50), 0, VOCAB, dtype=jnp.int64) if jax.config.jax_enable_x64 else jax.random.randint(k1, (4096, 50), 0, VOCAB, dtype=jnp.int32)
    table = jax.random.normal(k2, (VOCAB, D_MODEL), dtype=jnp.float32)
    return {"x": x, "table": table}

def reference(x, table):
    # nn.Embedding lookup followed by sqrt(d_model) scaling
    emb = jnp.take(table, x, axis=0)
    return emb * math.sqrt(D_MODEL)

if __name__ == "__main__":
    import jax
    _d = setup_inputs()
    print(jax.jit(kernel)(*tuple(_d.values())))

</pallas_src>

<mosaic_0001>
#map = affine_map<(d0, d1) -> (0, 0, 0)>
#map1 = affine_map<(d0, d1) -> (0, 0)>
module attributes {stable_mosaic.version = 14 : i64} {
  func.func @_body(%arg0: i32, %arg1: i32, %arg2: memref<32x50x128xi32, #tpu.memory_space<hbm>>, %arg3: memref<100000x128xf32, #tpu.memory_space<hbm>>, %arg4: memref<204800x128xf32, #tpu.memory_space<hbm>>, %arg5: memref<50x128xi32, #tpu.memory_space<vmem>>, %arg6: memref<128x128xf32, #tpu.memory_space<vmem>>, %arg7: memref<128x128xf32, #tpu.memory_space<vmem>>, %arg8: memref<!tpu.dma_semaphore, #tpu.memory_space<semaphore_mem>>, %arg9: memref<!tpu.dma_semaphore, #tpu.memory_space<semaphore_mem>>) attributes {dimension_semantics = [#tpu.dimension_semantics<core_parallel>, #tpu.dimension_semantics<subcore_parallel>], iteration_bounds = array<i64: 2, 16>, scalar_prefetch = 0 : i64, scratch_operands = 5 : i64, tpu.core_type = #tpu.core_type<sc_vector_subcore>, window_params = [{transform_indices = #map}, {transform_indices = #map1}, {transform_indices = #map1}]} {
    %mul3A = arith.constant 2 : i32
    %mul3A_0 = arith.muli %arg1, %mul3A : i32
    %add3A = arith.addi %mul3A_0, %arg0 : i32
    %mul3A_1 = arith.constant 50 : i32
    %mul3A_2 = arith.muli %add3A, %mul3A_1 : i32
    "tpu.region"() ({
      %run_scoped3A = tpu.sem_alloc : memref<!tpu.dma_semaphore, #tpu.memory_space<semaphore_mem>>
      %dma_start3A_21 = arith.constant 0 : i32
      %dma_start3A_22 = arith.constant 0 : i32
      %dma_start3A_23 = tpu.memref_slice %arg2[%add3A, %dma_start3A_21, %dma_start3A_22] : memref<32x50x128xi32, #tpu.memory_space<hbm>> -> memref<1x50x128xi32, #tpu.memory_space<hbm>>
      %dma_start3A_24 = tpu.memref_squeeze %dma_start3A_23 : memref<1x50x128xi32, #tpu.memory_space<hbm>> -> memref<50x128xi32, #tpu.memory_space<hbm>>
      %dma_start3A_25 = arith.constant 0 : i32
      %dma_start3A_26 = arith.constant 0 : i32
      %dma_start3A_27 = tpu.memref_slice %arg2[%add3A, %dma_start3A_25, %dma_start3A_26] : memref<32x50x128xi32, #tpu.memory_space<hbm>> -> memref<1x50x128xi32, #tpu.memory_space<hbm>>
      %dma_start3A_28 = tpu.memref_squeeze %dma_start3A_27 : memref<1x50x128xi32, #tpu.memory_space<hbm>> -> memref<50x128xi32, #tpu.memory_space<hbm>>
      tpu.enqueue_dma source(%dma_start3A_28 : memref<50x128xi32, #tpu.memory_space<hbm>>) target(%arg5 : memref<50x128xi32, #tpu.memory_space<vmem>>) target_semaphore(%run_scoped3A : memref<!tpu.dma_semaphore, #tpu.memory_space<semaphore_mem>>)
      %dma_wait3A = arith.constant 0 : i32
      %dma_wait3A_29 = arith.constant 0 : i32
      %dma_wait3A_30 = tpu.memref_slice %arg2[%add3A, %dma_wait3A, %dma_wait3A_29] : memref<32x50x128xi32, #tpu.memory_space<hbm>> -> memref<1x50x128xi32, #tpu.memory_space<hbm>>
      %dma_wait3A_31 = tpu.memref_squeeze %dma_wait3A_30 : memref<1x50x128xi32, #tpu.memory_space<hbm>> -> memref<50x128xi32, #tpu.memory_space<hbm>>
      %dma_wait3A_32 = arith.constant 0 : i32
      %dma_wait3A_33 = arith.constant 0 : i32
      %dma_wait3A_34 = tpu.memref_slice %arg2[%add3A, %dma_wait3A_32, %dma_wait3A_33] : memref<32x50x128xi32, #tpu.memory_space<hbm>> -> memref<1x50x128xi32, #tpu.memory_space<hbm>>
      %dma_wait3A_35 = tpu.memref_squeeze %dma_wait3A_34 : memref<1x50x128xi32, #tpu.memory_space<hbm>> -> memref<50x128xi32, #tpu.memory_space<hbm>>
      tpu.wait_dma2 semaphore(%run_scoped3A : memref<!tpu.dma_semaphore, #tpu.memory_space<semaphore_mem>>) src(%dma_wait3A_35 : memref<50x128xi32, #tpu.memory_space<hbm>>) dst(%arg5 : memref<50x128xi32, #tpu.memory_space<vmem>>)
      tpu.yield
    }) : () -> ()
    %dma_start3A = arith.constant 0 : i32
    %dma_start3A_3 = arith.constant 0 : i32
    %dma_start3A_4 = tpu.memref_slice %arg5[%dma_start3A, %dma_start3A_3] : memref<50x128xi32, #tpu.memory_space<vmem>> -> memref<1x128xi32, #tpu.memory_space<vmem>>
    %dma_start3A_5 = tpu.memref_squeeze %dma_start3A_4 : memref<1x128xi32, #tpu.memory_space<vmem>> -> memref<128xi32, #tpu.memory_space<vmem>>
    %dma_start3A_6 = arith.constant 0 : i32
    %dma_start3A_7 = arith.constant 0 : i32
    %dma_start3A_8 = tpu.memref_slice %arg3[%dma_start3A_6, %dma_start3A_7] : memref<100000x128xf32, #tpu.memory_space<hbm>> -> memref<100000x128xf32, #tpu.memory_space<hbm>>
    tpu.enqueue_indirect_dma source(%dma_start3A_8 : memref<100000x128xf32, #tpu.memory_space<hbm>>) target(%arg6 : memref<128x128xf32, #tpu.memory_space<vmem>>) offsets(%dma_start3A_5 : memref<128xi32, #tpu.memory_space<vmem>>) semaphore(%arg8 : memref<!tpu.dma_semaphore, #tpu.memory_space<semaphore_mem>>)
    %dma_start3A_9 = arith.constant 1 : i32
    %dma_start3A_10 = arith.constant 0 : i32
    %dma_start3A_11 = tpu.memref_slice %arg5[%dma_start3A_9, %dma_start3A_10] : memref<50x128xi32, #tpu.memory_space<vmem>> -> memref<1x128xi32, #tpu.memory_space<vmem>>
    %dma_start3A_12 = tpu.memref_squeeze %dma_start3A_11 : memref<1x128xi32, #tpu.memory_space<vmem>> -> memref<128xi32, #tpu.memory_space<vmem>>
    %dma_start3A_13 = arith.constant 0 : i32
    %dma_start3A_14 = arith.constant 0 : i32
    %dma_start3A_15 = tpu.memref_slice %arg3[%dma_start3A_13, %dma_start3A_14] : memref<100000x128xf32, #tpu.memory_space<hbm>> -> memref<100000x128xf32, #tpu.memory_space<hbm>>
    tpu.enqueue_indirect_dma source(%dma_start3A_15 : memref<100000x128xf32, #tpu.memory_space<hbm>>) target(%arg7 : memref<128x128xf32, #tpu.memory_space<vmem>>) offsets(%dma_start3A_12 : memref<128xi32, #tpu.memory_space<vmem>>) semaphore(%arg9 : memref<!tpu.dma_semaphore, #tpu.memory_space<semaphore_mem>>)
    %scan3A = arith.constant 0 : i32
    %scan3A_16 = arith.constant 0 : i32
    %scan3A_17 = arith.constant 25 : i32
    %scan3A_18 = arith.addi %scan3A_16, %scan3A_17 : i32
    %scan3A_19 = arith.constant 1 : i32
    scf.for %scan3A_21 = %scan3A_16 to %scan3A_18 step %scan3A_19  : i32 {
      %mul3A_22 = arith.constant 2 : i32
      %mul3A_23 = arith.muli %mul3A_22, %scan3A_21 : i32
      %add3A_24 = arith.constant 1 : i32
      %add3A_25 = arith.addi %mul3A_23, %add3A_24 : i32
      %dma_wait3A = arith.constant 0 : i32
      %dma_wait3A_26 = tpu.memref_slice %arg5[%mul3A_23, %dma_wait3A] : memref<50x128xi32, #tpu.memory_space<vmem>> -> memref<1x128xi32, #tpu.memory_space<vmem>>
      %dma_wait3A_27 = tpu.memref_squeeze %dma_wait3A_26 : memref<1x128xi32, #tpu.memory_space<vmem>> -> memref<128xi32, #tpu.memory_space<vmem>>
      %dma_wait3A_28 = arith.constant 0 : i32
      %dma_wait3A_29 = arith.constant 0 : i32
      %dma_wait3A_30 = tpu.memref_slice %arg3[%dma_wait3A_28, %dma_wait3A_29] : memref<100000x128xf32, #tpu.memory_space<hbm>> -> memref<100000x128xf32, #tpu.memory_space<hbm>>
      tpu.wait_indirect_dma semaphore(%arg8 : memref<!tpu.dma_semaphore, #tpu.memory_space<semaphore_mem>>) src(%dma_wait3A_30 : memref<100000x128xf32, #tpu.memory_space<hbm>>) dst(%arg6 : memref<128x128xf32, #tpu.memory_space<vmem>>)
      %scan3A_31 = arith.constant 0 : i32
      %scan3A_32 = arith.constant 0 : i32
      %scan3A_33 = arith.constant 128 : i32
      %scan3A_34 = arith.addi %scan3A_32, %scan3A_33 : i32
      %scan3A_35 = arith.constant 1 : i32
      scf.for %scan3A_66 = %scan3A_32 to %scan3A_34 step %scan3A_35  : i32 {
        %get3A = arith.index_cast %scan3A_66 : i32 to index
        %get3A_67 = arith.constant 0 : index
        %get3A_68 = tpu.vector_load %arg6[%get3A, %get3A_67] {strides = array<i32>} : memref<128x128xf32, #tpu.memory_space<vmem>>, vector<1x16xf32>,
        %get3A_69 = vector.shape_cast %get3A_68 : vector<1x16xf32> to vector<16xf32>
        %mul3A_70 = arith.constant 11.3137083 : f32
        %mul3A_71 = vector.broadcast %mul3A_70 : f32 to vector<16xf32>
        %mul3A_72 = arith.mulf %get3A_69, %mul3A_71 : vector<16xf32>
        %swap3A = arith.index_cast %scan3A_66 : i32 to index
        %swap3A_73 = arith.constant 0 : index
        %swap3A_74 = tpu.vector_load %arg6[%swap3A, %swap3A_73] {strides = array<i32>} : memref<128x128xf32, #tpu.memory_space<vmem>>, vector<1x16xf32>,
        %swap3A_75 = vector.shape_cast %swap3A_74 : vector<1x16xf32> to vector<16xf32>
        %swap3A_76 = vector.shape_cast %mul3A_72 : vector<16xf32> to vector<1x16xf32>
        tpu.vector_store %arg6[%swap3A, %swap3A_73], %swap3A_76 {strides = array<i32>} : memref<128x128xf32, #tpu.memory_space<vmem>>, vector<1x16xf32>,
        %get3A_77 = arith.index_cast %scan3A_66 : i32 to index
        %get3A_78 = arith.constant 16 : index
        %get3A_79 = tpu.vector_load %arg6[%get3A_77, %get3A_78] {strides = array<i32>} : memref<128x128xf32, #tpu.memory_space<vmem>>, vector<1x16xf32>,
        %get3A_80 = vector.shape_cast %get3A_79 : vector<1x16xf32> to vector<16xf32>
        %mul3A_81 = arith.constant 11.3137083 : f32
        %mul3A_82 = vector.broadcast %mul3A_81 : f32 to vector<16xf32>
        %mul3A_83 = arith.mulf %get3A_80, %mul3A_82 : vector<16xf32>
        %swap3A_84 = arith.index_cast %scan3A_66 : i32 to index
        %swap3A_85 = arith.constant 16 : index
        %swap3A_86 = tpu.vector_load %arg6[%swap3A_84, %swap3A_85] {strides = array<i32>} : memref<128x128xf32, #tpu.memory_space<vmem>>, vector<1x16xf32>,
        %swap3A_87 = vector.shape_cast %swap3A_86 : vector<1x16xf32> to vector<16xf32>
        %swap3A_88 = vector.shape_cast %mul3A_83 : vector<16xf32> to vector<1x16xf32>
        tpu.vector_store %arg6[%swap3A_84, %swap3A_85], %swap3A_88 {strides = array<i32>} : memref<128x128xf32, #tpu.memory_space<vmem>>, vector<1x16xf32>,
        %get3A_89 = arith.index_cast %scan3A_66 : i32 to index
        %get3A_90 = arith.constant 32 : index
        %get3A_91 = tpu.vector_load %arg6[%get3A_89, %get3A_90] {strides = array<i32>} : memref<128x128xf32, #tpu.memory_space<vmem>>, vector<1x16xf32>,
        %get3A_92 = vector.shape_cast %get3A_91 : vector<1x16xf32> to vector<16xf32>
        %mul3A_93 = arith.constant 11.3137083 : f32
        %mul3A_94 = vector.broadcast %mul3A_93 : f32 to vector<16xf32>
        %mul3A_95 = arith.mulf %get3A_92, %mul3A_94 : vector<16xf32>
        %swap3A_96 = arith.index_cast %scan3A_66 : i32 to index
        %swap3A_97 = arith.constant 32 : index
        %swap3A_98 = tpu.vector_load %arg6[%swap3A_96, %swap3A_97] {strides = array<i32>} : memref<128x128xf32, #tpu.memory_space<vmem>>, vector<1x16xf32>,
        %swap3A_99 = vector.shape_cast %swap3A_98 : vector<1x16xf32> to vector<16xf32>
        %swap3A_100 = vector.shape_cast %mul3A_95 : vector<16xf32> to vector<1x16xf32>
        tpu.vector_store %arg6[%swap3A_96, %swap3A_97], %swap3A_100 {strides = array<i32>} : memref<128x128xf32, #tpu.memory_space<vmem>>, vector<1x16xf32>,
        %get3A_101 = arith.index_cast %scan3A_66 : i32 to index
        %get3A_102 = arith.constant 48 : index
        %get3A_103 = tpu.vector_load %arg6[%get3A_101, %get3A_102] {strides = array<i32>} : memref<128x128xf32, #tpu.memory_space<vmem>>, vector<1x16xf32>,
        %get3A_104 = vector.shape_cast %get3A_103 : vector<1x16xf32> to vector<16xf32>
        %mul3A_105 = arith.constant 11.3137083 : f32
        %mul3A_106 = vector.broadcast %mul3A_105 : f32 to vector<16xf32>
        %mul3A_107 = arith.mulf %get3A_104, %mul3A_106 : vector<16xf32>
        %swap3A_108 = arith.index_cast %scan3A_66 : i32 to index
        %swap3A_109 = arith.constant 48 : index
        %swap3A_110 = tpu.vector_load %arg6[%swap3A_108, %swap3A_109] {strides = array<i32>} : memref<128x128xf32, #tpu.memory_space<vmem>>, vector<1x16xf32>,
        %swap3A_111 = vector.shape_cast %swap3A_110 : vector<1x16xf32> to vector<16xf32>
        %swap3A_112 = vector.shape_cast %mul3A_107 : vector<16xf32> to vector<1x16xf32>
        tpu.vector_store %arg6[%swap3A_108, %swap3A_109], %swap3A_112 {strides = array<i32>} : memref<128x128xf32, #tpu.memory_space<vmem>>, vector<1x16xf32>,
        %get3A_113 = arith.index_cast %scan3A_66 : i32 to index
        %get3A_114 = arith.constant 64 : index
        %get3A_115 = tpu.vector_load %arg6[%get3A_113, %get3A_114] {strides = array<i32>} : memref<128x128xf32, #tpu.memory_space<vmem>>, vector<1x16xf32>,
        %get3A_116 = vector.shape_cast %get3A_115 : vector<1x16xf32> to vector<16xf32>
        %mul3A_117 = arith.constant 11.3137083 : f32
        %mul3A_118 = vector.broadcast %mul3A_117 : f32 to vector<16xf32>
        %mul3A_119 = arith.mulf %get3A_116, %mul3A_118 : vector<16xf32>
        %swap3A_120 = arith.index_cast %scan3A_66 : i32 to index
        %swap3A_121 = arith.constant 64 : index
        %swap3A_122 = tpu.vector_load %arg6[%swap3A_120, %swap3A_121] {strides = array<i32>} : memref<128x128xf32, #tpu.memory_space<vmem>>, vector<1x16xf32>,
        %swap3A_123 = vector.shape_cast %swap3A_122 : vector<1x16xf32> to vector<16xf32>
        %swap3A_124 = vector.shape_cast %mul3A_119 : vector<16xf32> to vector<1x16xf32>
        tpu.vector_store %arg6[%swap3A_120, %swap3A_121], %swap3A_124 {strides = array<i32>} : memref<128x128xf32, #tpu.memory_space<vmem>>, vector<1x16xf32>,
        %get3A_125 = arith.index_cast %scan3A_66 : i32 to index
        %get3A_126 = arith.constant 80 : index
        %get3A_127 = tpu.vector_load %arg6[%get3A_125, %get3A_126] {strides = array<i32>} : memref<128x128xf32, #tpu.memory_space<vmem>>, vector<1x16xf32>,
        %get3A_128 = vector.shape_cast %get3A_127 : vector<1x16xf32> to vector<16xf32>
        %mul3A_129 = arith.constant 11.3137083 : f32
        %mul3A_130 = vector.broadcast %mul3A_129 : f32 to vector<16xf32>
        %mul3A_131 = arith.mulf %get3A_128, %mul3A_130 : vector<16xf32>
        %swap3A_132 = arith.index_cast %scan3A_66 : i32 to index
        %swap3A_133 = arith.constant 80 : index
        %swap3A_134 = tpu.vector_load %arg6[%swap3A_132, %swap3A_133] {strides = array<i32>} : memref<128x128xf32, #tpu.memory_space<vmem>>, vector<1x16xf32>,
        %swap3A_135 = vector.shape_cast %swap3A_134 : vector<1x16xf32> to vector<16xf32>
        %swap3A_136 = vector.shape_cast %mul3A_131 : vector<16xf32> to vector<1x16xf32>
        tpu.vector_store %arg6[%swap3A_132, %swap3A_133], %swap3A_136 {strides = array<i32>} : memref<128x128xf32, #tpu.memory_space<vmem>>, vector<1x16xf32>,
        %get3A_137 = arith.index_cast %scan3A_66 : i32 to index
        %get3A_138 = arith.constant 96 : index
        %get3A_139 = tpu.vector_load %arg6[%get3A_137, %get3A_138] {strides = array<i32>} : memref<128x128xf32, #tpu.memory_space<vmem>>, vector<1x16xf32>,
        %get3A_140 = vector.shape_cast %get3A_139 : vector<1x16xf32> to vector<16xf32>
        %mul3A_141 = arith.constant 11.3137083 : f32
        %mul3A_142 = vector.broadcast %mul3A_141 : f32 to vector<16xf32>
        %mul3A_143 = arith.mulf %get3A_140, %mul3A_142 : vector<16xf32>
        %swap3A_144 = arith.index_cast %scan3A_66 : i32 to index
        %swap3A_145 = arith.constant 96 : index
        %swap3A_146 = tpu.vector_load %arg6[%swap3A_144, %swap3A_145] {strides = array<i32>} : memref<128x128xf32, #tpu.memory_space<vmem>>, vector<1x16xf32>,
        %swap3A_147 = vector.shape_cast %swap3A_146 : vector<1x16xf32> to vector<16xf32>
        %swap3A_148 = vector.shape_cast %mul3A_143 : vector<16xf32> to vector<1x16xf32>
        tpu.vector_store %arg6[%swap3A_144, %swap3A_145], %swap3A_148 {strides = array<i32>} : memref<128x128xf32, #tpu.memory_space<vmem>>, vector<1x16xf32>,
        %get3A_149 = arith.index_cast %scan3A_66 : i32 to index
        %get3A_150 = arith.constant 112 : index
        %get3A_151 = tpu.vector_load %arg6[%get3A_149, %get3A_150] {strides = array<i32>} : memref<128x128xf32, #tpu.memory_space<vmem>>, vector<1x16xf32>,
        %get3A_152 = vector.shape_cast %get3A_151 : vector<1x16xf32> to vector<16xf32>
        %mul3A_153 = arith.constant 11.3137083 : f32
        %mul3A_154 = vector.broadcast %mul3A_153 : f32 to vector<16xf32>
        %mul3A_155 = arith.mulf %get3A_152, %mul3A_154 : vector<16xf32>
        %swap3A_156 = arith.index_cast %scan3A_66 : i32 to index
        %swap3A_157 = arith.constant 112 : index
        %swap3A_158 = tpu.vector_load %arg6[%swap3A_156, %swap3A_157] {strides = array<i32>} : memref<128x128xf32, #tpu.memory_space<vmem>>, vector<1x16xf32>,
        %swap3A_159 = vector.shape_cast %swap3A_158 : vector<1x16xf32> to vector<16xf32>
        %swap3A_160 = vector.shape_cast %mul3A_155 : vector<16xf32> to vector<1x16xf32>
        tpu.vector_store %arg6[%swap3A_156, %swap3A_157], %swap3A_160 {strides = array<i32>} : memref<128x128xf32, #tpu.memory_space<vmem>>, vector<1x16xf32>,
      }
      %scan3A_36 = arith.constant 128 : i32
      %add3A_37 = arith.addi %mul3A_2, %mul3A_23 : i32
      %mul3A_38 = arith.constant 128 : i32
      %mul3A_39 = arith.muli %add3A_37, %mul3A_38 : i32
      "tpu.region"() ({
        %run_scoped3A = tpu.sem_alloc : memref<!tpu.dma_semaphore, #tpu.memory_space<semaphore_mem>>
        %dma_start3A_66 = arith.constant 0 : i32
        %dma_start3A_67 = tpu.memref_slice %arg4[%mul3A_39, %dma_start3A_66] : memref<204800x128xf32, #tpu.memory_space<hbm>> -> memref<128x128xf32, #tpu.memory_space<hbm>>
        %dma_start3A_68 = arith.constant 0 : i32
        %dma_start3A_69 = tpu.memref_slice %arg4[%mul3A_39, %dma_start3A_68] : memref<204800x128xf32, #tpu.memory_space<hbm>> -> memref<128x128xf32, #tpu.memory_space<hbm>>
        tpu.enqueue_dma source(%arg6 : memref<128x128xf32, #tpu.memory_space<vmem>>) target(%dma_start3A_69 : memref<128x128xf32, #tpu.memory_space<hbm>>) target_semaphore(%run_scoped3A : memref<!tpu.dma_semaphore, #tpu.memory_space<semaphore_mem>>)
        %dma_wait3A_70 = arith.constant 0 : i32
        %dma_wait3A_71 = tpu.memref_slice %arg4[%mul3A_39, %dma_wait3A_70] : memref<204800x128xf32, #tpu.memory_space<hbm>> -> memref<128x128xf32, #tpu.memory_space<hbm>>
        %dma_wait3A_72 = arith.constant 0 : i32
        %dma_wait3A_73 = tpu.memref_slice %arg4[%mul3A_39, %dma_wait3A_72] : memref<204800x128xf32, #tpu.memory_space<hbm>> -> memref<128x128xf32, #tpu.memory_space<hbm>>
        tpu.wait_dma2 semaphore(%run_scoped3A : memref<!tpu.dma_semaphore, #tpu.memory_space<semaphore_mem>>) src(%arg6 : memref<128x128xf32, #tpu.memory_space<vmem>>) dst(%dma_wait3A_73 : memref<128x128xf32, #tpu.memory_space<hbm>>)
        tpu.yield
      }) : () -> ()
      %add3A_40 = arith.constant 2 : i32
      %add3A_41 = arith.addi %mul3A_23, %add3A_40 : i32
      %lt3A = arith.constant 50 : i32
      %lt3A_42 = arith.cmpi slt, %add3A_41, %lt3A : i32
      %convert_element_type3A = arith.extui %lt3A_42 : i1 to i32
      %cond3A = arith.constant 0 : i32
      %cond3A_43 = arith.cmpi ne, %convert_element_type3A, %cond3A : i32
      scf.if %cond3A_43 {
        %add3A_66 = arith.constant 2 : i32
        %add3A_67 = arith.addi %mul3A_23, %add3A_66 : i32
        %dma_start3A_68 = arith.constant 0 : i32
        %dma_start3A_69 = tpu.memref_slice %arg5[%add3A_67, %dma_start3A_68] : memref<50x128xi32, #tpu.memory_space<vmem>> -> memref<1x128xi32, #tpu.memory_space<vmem>>
        %dma_start3A_70 = tpu.memref_squeeze %dma_start3A_69 : memref<1x128xi32, #tpu.memory_space<vmem>> -> memref<128xi32, #tpu.memory_space<vmem>>
        %dma_start3A_71 = arith.constant 0 : i32
        %dma_start3A_72 = arith.constant 0 : i32
        %dma_start3A_73 = tpu.memref_slice %arg3[%dma_start3A_71, %dma_start3A_72] : memref<100000x128xf32, #tpu.memory_space<hbm>> -> memref<100000x128xf32, #tpu.memory_space<hbm>>
        tpu.enqueue_indirect_dma source(%dma_start3A_73 : memref<100000x128xf32, #tpu.memory_space<hbm>>) target(%arg6 : memref<128x128xf32, #tpu.memory_space<vmem>>) offsets(%dma_start3A_70 : memref<128xi32, #tpu.memory_space<vmem>>) semaphore(%arg8 : memref<!tpu.dma_semaphore, #tpu.memory_space<semaphore_mem>>)
      } else {
      }
      %dma_wait3A_44 = arith.constant 0 : i32
      %dma_wait3A_45 = tpu.memref_slice %arg5[%add3A_25, %dma_wait3A_44] : memref<50x128xi32, #tpu.memory_space<vmem>> -> memref<1x128xi32, #tpu.memory_space<vmem>>
      %dma_wait3A_46 = tpu.memref_squeeze %dma_wait3A_45 : memref<1x128xi32, #tpu.memory_space<vmem>> -> memref<128xi32, #tpu.memory_space<vmem>>
      %dma_wait3A_47 = arith.constant 0 : i32
      %dma_wait3A_48 = arith.constant 0 : i32
      %dma_wait3A_49 = tpu.memref_slice %arg3[%dma_wait3A_47, %dma_wait3A_48] : memref<100000x128xf32, #tpu.memory_space<hbm>> -> memref<100000x128xf32, #tpu.memory_space<hbm>>
      tpu.wait_indirect_dma semaphore(%arg9 : memref<!tpu.dma_semaphore, #tpu.memory_space<semaphore_mem>>) src(%dma_wait3A_49 : memref<100000x128xf32, #tpu.memory_space<hbm>>) dst(%arg7 : memref<128x128xf32, #tpu.memory_space<vmem>>)
      %scan3A_50 = arith.constant 0 : i32
      %scan3A_51 = arith.constant 0 : i32
      %scan3A_52 = arith.constant 128 : i32
      %scan3A_53 = arith.addi %scan3A_51, %scan3A_52 : i32
      %scan3A_54 = arith.constant 1 : i32
      scf.for %scan3A_66 = %scan3A_51 to %scan3A_53 step %scan3A_54  : i32 {
        %get3A = arith.index_cast %scan3A_66 : i32 to index
        %get3A_67 = arith.constant 0 : index
        %get3A_68 = tpu.vector_load %arg7[%get3A, %get3A_67] {strides = array<i32>} : memref<128x128xf32, #tpu.memory_space<vmem>>, vector<1x16xf32>,
        %get3A_69 = vector.shape_cast %get3A_68 : vector<1x16xf32> to vector<16xf32>
        %mul3A_70 = arith.constant 11.3137083 : f32
        %mul3A_71 = vector.broadcast %mul3A_70 : f32 to vector<16xf32>
        %mul3A_72 = arith.mulf %get3A_69, %mul3A_71 : vector<16xf32>
        %swap3A = arith.index_cast %scan3A_66 : i32 to index
        %swap3A_73 = arith.constant 0 : index
        %swap3A_74 = tpu.vector_load %arg7[%swap3A, %swap3A_73] {strides = array<i32>} : memref<128x128xf32, #tpu.memory_space<vmem>>, vector<1x16xf32>,
        %swap3A_75 = vector.shape_cast %swap3A_74 : vector<1x16xf32> to vector<16xf32>
        %swap3A_76 = vector.shape_cast %mul3A_72 : vector<16xf32> to vector<1x16xf32>
        tpu.vector_store %arg7[%swap3A, %swap3A_73], %swap3A_76 {strides = array<i32>} : memref<128x128xf32, #tpu.memory_space<vmem>>, vector<1x16xf32>,
        %get3A_77 = arith.index_cast %scan3A_66 : i32 to index
        %get3A_78 = arith.constant 16 : index
        %get3A_79 = tpu.vector_load %arg7[%get3A_77, %get3A_78] {strides = array<i32>} : memref<128x128xf32, #tpu.memory_space<vmem>>, vector<1x16xf32>,
        %get3A_80 = vector.shape_cast %get3A_79 : vector<1x16xf32> to vector<16xf32>
        %mul3A_81 = arith.constant 11.3137083 : f32
        %mul3A_82 = vector.broadcast %mul3A_81 : f32 to vector<16xf32>
        %mul3A_83 = arith.mulf %get3A_80, %mul3A_82 : vector<16xf32>
        %swap3A_84 = arith.index_cast %scan3A_66 : i32 to index
        %swap3A_85 = arith.constant 16 : index
        %swap3A_86 = tpu.vector_load %arg7[%swap3A_84, %swap3A_85] {strides = array<i32>} : memref<128x128xf32, #tpu.memory_space<vmem>>, vector<1x16xf32>,
        %swap3A_87 = vector.shape_cast %swap3A_86 : vector<1x16xf32> to vector<16xf32>
        %swap3A_88 = vector.shape_cast %mul3A_83 : vector<16xf32> to vector<1x16xf32>
        tpu.vector_store %arg7[%swap3A_84, %swap3A_85], %swap3A_88 {strides = array<i32>} : memref<128x128xf32, #tpu.memory_space<vmem>>, vector<1x16xf32>,
        %get3A_89 = arith.index_cast %scan3A_66 : i32 to index
        %get3A_90 = arith.constant 32 : index
        %get3A_91 = tpu.vector_load %arg7[%get3A_89, %get3A_90] {strides = array<i32>} : memref<128x128xf32, #tpu.memory_space<vmem>>, vector<1x16xf32>,
        %get3A_92 = vector.shape_cast %get3A_91 : vector<1x16xf32> to vector<16xf32>
        %mul3A_93 = arith.constant 11.3137083 : f32
        %mul3A_94 = vector.broadcast %mul3A_93 : f32 to vector<16xf32>
        %mul3A_95 = arith.mulf %get3A_92, %mul3A_94 : vector<16xf32>
        %swap3A_96 = arith.index_cast %scan3A_66 : i32 to index
        %swap3A_97 = arith.constant 32 : index
        %swap3A_98 = tpu.vector_load %arg7[%swap3A_96, %swap3A_97] {strides = array<i32>} : memref<128x128xf32, #tpu.memory_space<vmem>>, vector<1x16xf32>,
        %swap3A_99 = vector.shape_cast %swap3A_98 : vector<1x16xf32> to vector<16xf32>
        %swap3A_100 = vector.shape_cast %mul3A_95 : vector<16xf32> to vector<1x16xf32>
        tpu.vector_store %arg7[%swap3A_96, %swap3A_97], %swap3A_100 {strides = array<i32>} : memref<128x128xf32, #tpu.memory_space<vmem>>, vector<1x16xf32>,
        %get3A_101 = arith.index_cast %scan3A_66 : i32 to index
        %get3A_102 = arith.constant 48 : index
        %get3A_103 = tpu.vector_load %arg7[%get3A_101, %get3A_102] {strides = array<i32>} : memref<128x128xf32, #tpu.memory_space<vmem>>, vector<1x16xf32>,
        %get3A_104 = vector.shape_cast %get3A_103 : vector<1x16xf32> to vector<16xf32>
        %mul3A_105 = arith.constant 11.3137083 : f32
        %mul3A_106 = vector.broadcast %mul3A_105 : f32 to vector<16xf32>
        %mul3A_107 = arith.mulf %get3A_104, %mul3A_106 : vector<16xf32>
        %swap3A_108 = arith.index_cast %scan3A_66 : i32 to index
        %swap3A_109 = arith.constant 48 : index
        %swap3A_110 = tpu.vector_load %arg7[%swap3A_108, %swap3A_109] {strides = array<i32>} : memref<128x128xf32, #tpu.memory_space<vmem>>, vector<1x16xf32>,
        %swap3A_111 = vector.shape_cast %swap3A_110 : vector<1x16xf32> to vector<16xf32>
        %swap3A_112 = vector.shape_cast %mul3A_107 : vector<16xf32> to vector<1x16xf32>
        tpu.vector_store %arg7[%swap3A_108, %swap3A_109], %swap3A_112 {strides = array<i32>} : memref<128x128xf32, #tpu.memory_space<vmem>>, vector<1x16xf32>,
        %get3A_113 = arith.index_cast %scan3A_66 : i32 to index
        %get3A_114 = arith.constant 64 : index
        %get3A_115 = tpu.vector_load %arg7[%get3A_113, %get3A_114] {strides = array<i32>} : memref<128x128xf32, #tpu.memory_space<vmem>>, vector<1x16xf32>,
        %get3A_116 = vector.shape_cast %get3A_115 : vector<1x16xf32> to vector<16xf32>
        %mul3A_117 = arith.constant 11.3137083 : f32
        %mul3A_118 = vector.broadcast %mul3A_117 : f32 to vector<16xf32>
        %mul3A_119 = arith.mulf %get3A_116, %mul3A_118 : vector<16xf32>
        %swap3A_120 = arith.index_cast %scan3A_66 : i32 to index
        %swap3A_121 = arith.constant 64 : index
        %swap3A_122 = tpu.vector_load %arg7[%swap3A_120, %swap3A_121] {strides = array<i32>} : memref<128x128xf32, #tpu.memory_space<vmem>>, vector<1x16xf32>,
        %swap3A_123 = vector.shape_cast %swap3A_122 : vector<1x16xf32> to vector<16xf32>
        %swap3A_124 = vector.shape_cast %mul3A_119 : vector<16xf32> to vector<1x16xf32>
        tpu.vector_store %arg7[%swap3A_120, %swap3A_121], %swap3A_124 {strides = array<i32>} : memref<128x128xf32, #tpu.memory_space<vmem>>, vector<1x16xf32>,
        %get3A_125 = arith.index_cast %scan3A_66 : i32 to index
        %get3A_126 = arith.constant 80 : index
        %get3A_127 = tpu.vector_load %arg7[%get3A_125, %get3A_126] {strides = array<i32>} : memref<128x128xf32, #tpu.memory_space<vmem>>, vector<1x16xf32>,
        %get3A_128 = vector.shape_cast %get3A_127 : vector<1x16xf32> to vector<16xf32>
        %mul3A_129 = arith.constant 11.3137083 : f32
        %mul3A_130 = vector.broadcast %mul3A_129 : f32 to vector<16xf32>
        %mul3A_131 = arith.mulf %get3A_128, %mul3A_130 : vector<16xf32>
        %swap3A_132 = arith.index_cast %scan3A_66 : i32 to index
        %swap3A_133 = arith.constant 80 : index
        %swap3A_134 = tpu.vector_load %arg7[%swap3A_132, %swap3A_133] {strides = array<i32>} : memref<128x128xf32, #tpu.memory_space<vmem>>, vector<1x16xf32>,
        %swap3A_135 = vector.shape_cast %swap3A_134 : vector<1x16xf32> to vector<16xf32>
        %swap3A_136 = vector.shape_cast %mul3A_131 : vector<16xf32> to vector<1x16xf32>
        tpu.vector_store %arg7[%swap3A_132, %swap3A_133], %swap3A_136 {strides = array<i32>} : memref<128x128xf32, #tpu.memory_space<vmem>>, vector<1x16xf32>,
        %get3A_137 = arith.index_cast %scan3A_66 : i32 to index
        %get3A_138 = arith.constant 96 : index
        %get3A_139 = tpu.vector_load %arg7[%get3A_137, %get3A_138] {strides = array<i32>} : memref<128x128xf32, #tpu.memory_space<vmem>>, vector<1x16xf32>,
        %get3A_140 = vector.shape_cast %get3A_139 : vector<1x16xf32> to vector<16xf32>
        %mul3A_141 = arith.constant 11.3137083 : f32
        %mul3A_142 = vector.broadcast %mul3A_141 : f32 to vector<16xf32>
        %mul3A_143 = arith.mulf %get3A_140, %mul3A_142 : vector<16xf32>
        %swap3A_144 = arith.index_cast %scan3A_66 : i32 to index
        %swap3A_145 = arith.constant 96 : index
        %swap3A_146 = tpu.vector_load %arg7[%swap3A_144, %swap3A_145] {strides = array<i32>} : memref<128x128xf32, #tpu.memory_space<vmem>>, vector<1x16xf32>,
        %swap3A_147 = vector.shape_cast %swap3A_146 : vector<1x16xf32> to vector<16xf32>
        %swap3A_148 = vector.shape_cast %mul3A_143 : vector<16xf32> to vector<1x16xf32>
        tpu.vector_store %arg7[%swap3A_144, %swap3A_145], %swap3A_148 {strides = array<i32>} : memref<128x128xf32, #tpu.memory_space<vmem>>, vector<1x16xf32>,
        %get3A_149 = arith.index_cast %scan3A_66 : i32 to index
        %get3A_150 = arith.constant 112 : index
        %get3A_151 = tpu.vector_load %arg7[%get3A_149, %get3A_150] {strides = array<i32>} : memref<128x128xf32, #tpu.memory_space<vmem>>, vector<1x16xf32>,
        %get3A_152 = vector.shape_cast %get3A_151 : vector<1x16xf32> to vector<16xf32>
        %mul3A_153 = arith.constant 11.3137083 : f32
        %mul3A_154 = vector.broadcast %mul3A_153 : f32 to vector<16xf32>
        %mul3A_155 = arith.mulf %get3A_152, %mul3A_154 : vector<16xf32>
        %swap3A_156 = arith.index_cast %scan3A_66 : i32 to index
        %swap3A_157 = arith.constant 112 : index
        %swap3A_158 = tpu.vector_load %arg7[%swap3A_156, %swap3A_157] {strides = array<i32>} : memref<128x128xf32, #tpu.memory_space<vmem>>, vector<1x16xf32>,
        %swap3A_159 = vector.shape_cast %swap3A_158 : vector<1x16xf32> to vector<16xf32>
        %swap3A_160 = vector.shape_cast %mul3A_155 : vector<16xf32> to vector<1x16xf32>
        tpu.vector_store %arg7[%swap3A_156, %swap3A_157], %swap3A_160 {strides = array<i32>} : memref<128x128xf32, #tpu.memory_space<vmem>>, vector<1x16xf32>,
      }
      %scan3A_55 = arith.constant 128 : i32
      %add3A_56 = arith.addi %mul3A_2, %add3A_25 : i32
      %mul3A_57 = arith.constant 128 : i32
      %mul3A_58 = arith.muli %add3A_56, %mul3A_57 : i32
      "tpu.region"() ({
        %run_scoped3A = tpu.sem_alloc : memref<!tpu.dma_semaphore, #tpu.memory_space<semaphore_mem>>
        %dma_start3A_66 = arith.constant 0 : i32
        %dma_start3A_67 = tpu.memref_slice %arg4[%mul3A_58, %dma_start3A_66] : memref<204800x128xf32, #tpu.memory_space<hbm>> -> memref<128x128xf32, #tpu.memory_space<hbm>>
        %dma_start3A_68 = arith.constant 0 : i32
        %dma_start3A_69 = tpu.memref_slice %arg4[%mul3A_58, %dma_start3A_68] : memref<204800x128xf32, #tpu.memory_space<hbm>> -> memref<128x128xf32, #tpu.memory_space<hbm>>
        tpu.enqueue_dma source(%arg7 : memref<128x128xf32, #tpu.memory_space<vmem>>) target(%dma_start3A_69 : memref<128x128xf32, #tpu.memory_space<hbm>>) target_semaphore(%run_scoped3A : memref<!tpu.dma_semaphore, #tpu.memory_space<semaphore_mem>>)
        %dma_wait3A_70 = arith.constant 0 : i32
        %dma_wait3A_71 = tpu.memref_slice %arg4[%mul3A_58, %dma_wait3A_70] : memref<204800x128xf32, #tpu.memory_space<hbm>> -> memref<128x128xf32, #tpu.memory_space<hbm>>
        %dma_wait3A_72 = arith.constant 0 : i32
        %dma_wait3A_73 = tpu.memref_slice %arg4[%mul3A_58, %dma_wait3A_72] : memref<204800x128xf32, #tpu.memory_space<hbm>> -> memref<128x128xf32, #tpu.memory_space<hbm>>
        tpu.wait_dma2 semaphore(%run_scoped3A : memref<!tpu.dma_semaphore, #tpu.memory_space<semaphore_mem>>) src(%arg7 : memref<128x128xf32, #tpu.memory_space<vmem>>) dst(%dma_wait3A_73 : memref<128x128xf32, #tpu.memory_space<hbm>>)
        tpu.yield
      }) : () -> ()
      %add3A_59 = arith.constant 2 : i32
      %add3A_60 = arith.addi %add3A_25, %add3A_59 : i32
      %lt3A_61 = arith.constant 50 : i32
      %lt3A_62 = arith.cmpi slt, %add3A_60, %lt3A_61 : i32
      %convert_element_type3A_63 = arith.extui %lt3A_62 : i1 to i32
      %cond3A_64 = arith.constant 0 : i32
      %cond3A_65 = arith.cmpi ne, %convert_element_type3A_63, %cond3A_64 : i32
      scf.if %cond3A_65 {
        %add3A_66 = arith.constant 2 : i32
        %add3A_67 = arith.addi %add3A_25, %add3A_66 : i32
        %dma_start3A_68 = arith.constant 0 : i32
        %dma_start3A_69 = tpu.memref_slice %arg5[%add3A_67, %dma_start3A_68] : memref<50x128xi32, #tpu.memory_space<vmem>> -> memref<1x128xi32, #tpu.memory_space<vmem>>
        %dma_start3A_70 = tpu.memref_squeeze %dma_start3A_69 : memref<1x128xi32, #tpu.memory_space<vmem>> -> memref<128xi32, #tpu.memory_space<vmem>>
        %dma_start3A_71 = arith.constant 0 : i32
        %dma_start3A_72 = arith.constant 0 : i32
        %dma_start3A_73 = tpu.memref_slice %arg3[%dma_start3A_71, %dma_start3A_72] : memref<100000x128xf32, #tpu.memory_space<hbm>> -> memref<100000x128xf32, #tpu.memory_space<hbm>>
        tpu.enqueue_indirect_dma source(%dma_start3A_73 : memref<100000x128xf32, #tpu.memory_space<hbm>>) target(%arg7 : memref<128x128xf32, #tpu.memory_space<vmem>>) offsets(%dma_start3A_70 : memref<128xi32, #tpu.memory_space<vmem>>) semaphore(%arg9 : memref<!tpu.dma_semaphore, #tpu.memory_space<semaphore_mem>>)
      } else {
      }
    }
    %scan3A_20 = arith.constant 25 : i32
    return
  }
}

</mosaic_0001>

<sc_bundles>
// kernel: kernel.3.cloned.1.call-start
scs
__scs_entry_jumppad:
0x0: {  	(pc) =	sbr.rel $0x88, $3  }
0x1: {  	(tag) =	ssettag $0x0;
	lr =	simm.s32 $0x1  }
0x2: {  	[smem:$0x3F9F] =	sst lr;
	_ =	strace $0xD0000000  }
0x3: {  	_ = 	snop  }
0x4: {  	_ = 	snop  }
0x5: {  	_ = 	snop  }
0x6: {  	_ = 	snop  }
0x7: {  	_ = 	snop  }
__scs_overlays_trampoline_lowered:
0x8: {  	[smem:$0x3FAE] =	sst s0  }
0x9: {  	[smem:$0x3FAF] =	sst s1  }
0xa: {  	[smem:$0x3FB0] =	sst s2  }
0xb: {  	[smem:$0x3FB1] =	sst s3  }
0xc: {  	[smem:$0x3FB2] =	sst s4  }
0xd: {  	[smem:$0x3FB3] =	sst s5  }
0xe: {  	[smem:$0x3FB4] =	sst s6  }
0xf: {  	[smem:$0x3FB5] =	sst s7  }
0x10: {  	[smem:$0x3FB6] =	sst s8  }
0x11: {  	[smem:$0x3FB7] =	sst s9;
	s0 =	simm.s32 @!p0 $0x0  }
0x12: {  	s1 =	sld [smem:$0x3F9D];
	s0 =	simm.s32 @p0 $0x1  }
0x13: {  	[smem:$0x3FB8] =	sst s0;
	s0 =	simm.s32 @!p1 $0x0  }
0x14: {  	s2 =	sld [smem:$0x3F9C];
	s0 =	simm.s32 @p1 $0x1  }
0x15: {  	[smem:$0x3FB9] =	sst s0;
	s0 =	simm.s32 @!p2 $0x0  }
0x16: {  	s3 =	sld [smem:$0x3FDB];
	s0 =	simm.s32 @p2 $0x1  }
0x17: {  	s4 =	simm.s32 $0x1BF5;
	[smem:$0x3FBB] =	sst s0  }
0x18: {  	s0 =	sld [smem:$0x3F9E];
	_ =	swait.ge [sflag:s4], $0x0  }
0x19: {  	s7 =	sld [smem:$0x3F9F]  }
0x1a: {  	s8 =	sadd.s32 $0xFFFFE003, lr  }
0x1b: {  	s9 =	sadd.s32 $0xFFFFFEF7, lr;
	s5 =	simm.s32 $0xFFFFFFFF;
	p2 =	slt.u32 s8, $0xFFFFF086  }
0x1c: {  	p1 =	slt.u32 s9, $0xF7A;
	s5 =	simm.s32 @!p2 $0x0  }
0x1d: {  	s5 =	simm.s32 @p1 $0x1;
	p0 =	seq.s32 s7, s2  }
0x1e: {  	s7 =	smul.u32 @!p0 $0xF7A, s2;
	p2 =	seq.s32 @!p0 s5, $0x0  }
0x1f: {  	s9 =	smul.u32 $0xF7A, s1;
	s8 =	simm.s32 @!p0 $0x1BF5;
	p2 =	por !p2, p0  }
0x20: {  	[sflag:s8] =	ssyncset.s32 @!p0 $0xFFFFF086;
	s6 =	sadd.s32 @!p0 s3, s7;
	s7 =	simm.s32 @!p0 $0x108  }
0x21: {  	s3 =	sadd.s32 s3, s9;
	s6 =	sadd.s32 @!p0 $0x88, s6;
	s7 =	simm.s32 @p2 $0x1082  }
0x22: {  	[simem:s7], [sflag:s8] =	dma.local @!p0 [hbm:s6], $0xF7A  }
0x23: {  	s9 =	sor.u32 $0xD0000000, s2;
	s6 =	simm.s32 $0x108;
	_ =	swait.ge @!p0 [sflag:s8], $0x0  }
0x24: {  	s3 =	sadd.s32 $0x88, s3;
	s6 =	simm.s32 @!p1 $0x1082;
	[sflag:s4] =	ssyncset.s32 $0xFFFFF086  }
0x25: {  	[simem:s6], [sflag:s4] =	dma.local [hbm:s3], $0xF7A  }
0x26: {  	[smem:$0x3F9F] =	sst s1;
	(tag) =	ssettag s2;
	_ =	strace s9  }
0x27: {  	s1 =	sld [smem:$0x3FAF]  }
0x28: {  	s2 =	sld [smem:$0x3FB0]  }
0x29: {  	s4 =	sld [smem:$0x3FB2]  }
0x2a: {  	p0 =	seq.s32 s5, $0x0;
	s5 =	sld [smem:$0x3FB3]  }
0x2b: {  	s6 =	sld [smem:$0x3FB4]  }
0x2c: {  	s7 =	sld [smem:$0x3FB5]  }
0x2d: {  	s3 =	simm.s32 $0x108;
	s8 =	sld [smem:$0x3FB6]  }
0x2e: {  	s3 =	simm.s32 @!p0 $0x1082;
	s9 =	sld [smem:$0x3FB7]  }
0x2f: {  	lr =	sadd.s32 s0, s3;
	s0 =	sld [smem:$0x3FAE]  }
0x30: {  	s3 =	sld [smem:$0x3FB1]  }
0x31: {  	[smem:$0x3FBA] =	sst s10  }
0x32: {  	s10 =	sld [smem:$0x3FB8];
	_ =	sdelay $0x3  }
0x33: {  	p0 =	seq.s32 s10, $0x1;
	s10 =	sld [smem:$0x3FBA];
	_ =	sdelay $0x3  }
0x34: {  	[smem:$0x3FBA] =	sst s10  }
0x35: {  	s10 =	sld [smem:$0x3FB9];
	_ =	sdelay $0x3  }
0x36: {  	p1 =	seq.s32 s10, $0x1;
	s10 =	sld [smem:$0x3FBA];
	_ =	sdelay $0x3  }
0x37: {  	[smem:$0x3FBA] =	sst s10  }
0x38: {  	s10 =	sld [smem:$0x3FBB]  }
0x39: {  	_ = 	snop;
	(pc) =	sbr.ind lr, $3  }
0x3a: {  	_ = 	snop  }
0x3b: {  	_ = 	snop  }
0x3c: {  	p2 =	seq.s32 s10, $0x1;
	s10 =	sld [smem:$0x3FBA]  }
0x3d: {  	_ =	shalt  }
0x3e: {  	_ =	shalt  }
0x3f: {  	_ =	shalt  }
0x40: {  	_ =	shalt  }
0x41: {  	_ =	shalt  }
0x42: {  	_ =	shalt  }
0x43: {  	_ =	shalt  }
0x44: {  	_ =	shalt  }
0x45: {  	_ =	shalt  }
0x46: {  	_ =	shalt  }
0x47: {  	_ =	shalt  }
0x48: {  	_ =	shalt  }
0x49: {  	_ =	shalt  }
0x4a: {  	_ =	shalt  }
0x4b: {  	_ =	shalt  }
0x4c: {  	_ =	shalt  }
0x4d: {  	_ =	shalt  }
0x4e: {  	_ =	shalt  }
0x4f: {  	_ =	shalt  }
0x50: {  	_ =	shalt  }
0x51: {  	_ =	shalt  }
0x52: {  	_ =	shalt  }
0x53: {  	_ =	shalt  }
0x54: {  	_ =	shalt  }
0x55: {  	_ =	shalt  }
0x56: {  	_ =	shalt  }
0x57: {  	_ =	shalt  }
0x58: {  	_ =	shalt  }
0x59: {  	_ =	shalt  }
0x5a: {  	_ =	shalt  }
0x5b: {  	_ =	shalt  }
0x5c: {  	_ =	shalt  }
0x5d: {  	_ =	shalt  }
0x5e: {  	_ =	shalt  }
0x5f: {  	_ =	shalt  }
0x60: {  	_ =	shalt  }
0x61: {  	_ =	shalt  }
0x62: {  	_ =	shalt  }
0x63: {  	_ =	shalt  }
0x64: {  	_ =	shalt  }
0x65: {  	_ =	shalt  }
0x66: {  	_ =	shalt  }
0x67: {  	_ =	shalt  }
0x68: {  	_ =	shalt  }
0x69: {  	_ =	shalt  }
0x6a: {  	_ =	shalt  }
0x6b: {  	_ =	shalt  }
0x6c: {  	_ =	shalt  }
0x6d: {  	_ =	shalt  }
0x6e: {  	_ =	shalt  }
0x6f: {  	_ =	shalt  }
0x70: {  	_ =	shalt  }
0x71: {  	_ =	shalt  }
0x72: {  	_ =	shalt  }
0x73: {  	_ =	shalt  }
0x74: {  	_ =	shalt  }
0x75: {  	_ =	shalt  }
0x76: {  	_ =	shalt  }
0x77: {  	_ =	shalt  }
0x78: {  	_ =	shalt  }
0x79: {  	_ =	shalt  }
0x7a: {  	_ =	shalt  }
0x7b: {  	_ =	shalt  }
0x7c: {  	_ =	shalt  }
0x7d: {  	_ =	shalt  }
0x7e: {  	_ =	shalt  }
0x7f: {  	_ =	shalt  }
0x80: {  	_ =	shalt  }
0x81: {  	_ =	shalt  }
0x82: {  	_ =	shalt  }
0x83: {  	_ =	shalt  }
0x84: {  	_ =	shalt  }
0x85: {  	_ =	shalt  }
0x86: {  	_ =	shalt  }
0x87: {  	_ =	shalt  }
.Lfunc_end0:
.L_simem_size_0:
called_computation.1_lowered:
.L_overlay_start_0:
0x88: {  	s2 =	sld [smem:$0x3FD9]  }
0x89: {  	s3 =	sld [smem:$0x3FFE];
	_ =	sdelay $0x1  }
0x8a: {  	s1 =	srdreg.scid  }
0x8b: {  	s0 =	sand.u32 $0x1, s1  }
0x8c: {  	s17 =	sshll.u32 s0, $0xA;
	s2 =	sadd.s32 s3, s2  }
0x8d: {  	s2 =	sadd.s32 s2, s17  }
0x8e: {  	[smem:$0x3FC6] =	sst s2  }
0x8f: {  	_ = 	snop  }
0x90: {  	s2 =	sld [smem:$0x3FC8]  }
0x91: {  	s18 =	sld [smem:$0x3FD0];
	(tm) =	ssettm $0x1  }
0x92: {  	s4 =	sld [smem:$0x3FFB];
	_ =	sdelay $0x3  }
0x93: {  	_ =	strace s4  }
0x94: {  	s4 =	sld [smem:$0x3FFC];
	_ =	sdelay $0x3  }
0x95: {  	_ =	strace s4  }
0x96: {  	s4 =	sld [smem:$0x3FFD];
	_ =	sdelay $0x3  }
0x97: {  	_ =	strace s4  }
0x98: {  	_ =	strace $0x8FFFFFFF  }
0x99: {  	s19 =	sld [smem:$0x3FDB];
	_ =	sdelay $0x1  }
0x9a: {  	s5 =	simm.s32 $_scs_section_size  }
0x9b: {  	s6 =	simm.s32 $_size__tile_overlayer_lowered;
	s7 =	simm.s32 $_tile_overlayer_lowered  }
0x9c: {  	s22 =	simm.s32 $0x1BFF;
	s21 =	sshll.u32 s7, $0x1;
	s4 =	sadd.s32 s5, s19  }
0x9d: {  	s8 =	simm.s32 $0x0;
	s20 =	sshll.u32 s6, $0x1;
	s6 =	sadd.s32 s21, s4  }
0x9e: {  	[timem:s8], [sflag:s22] =	dma.local [hbm:s6], s20  }
0x9f: {  	_ =	swait.ge [sflag:s22], s20  }
0xa0: {  	s5 =	ssub.s32 $0x0, s20;
	[sflag:s22] =	ssyncset.done $0x0  }
0xa1: {  	[sflag:s22] =	ssyncadd.s32 s5;
	_ =	sdelay $0x1  }
0xa2: {  	s23 =	simm.s32 $0x1B8B  }
0xa3: {  	_ =	swait.ge [sflag:s23], $0x1  }
0xa4: {  	[sflag:s23] =	ssyncset.done $0x0  }
0xa5: {  	s25 =	simm.s32 $0x1B8E;
	s24 =	sld [smem:$0x3FFE];
	[sflag:s23] =	ssyncadd.s32 $0xFFFFFFFF  }
0xa6: {  	s26 =	simm.s32 $execute0_lowered;
	[smem:$0x3FD2] =	sst s25  }
0xa7: {  	s6 =	sshll.u32 s26, $0x1;
	_ =	strace $0x80000046;
	[dreg:$0x1] =	wrdreg $0xFFFFFFFF  }
0xa8: {  	s28 =	simm.s32 $_size_execute0_lowered;
	s4 =	sadd.s32 s4, s6;
	[dreg:$0x0] =	wrdreg $0x0  }
0xa9: {  	s6 =	sshll.u32 s28, $0x1;
	[dreg:$0x2] =	wrdreg s4  }
0xaa: {  	[dreg:$0x3] =	wrdreg s6  }
0xab: {  	[dreg:$0x4] =	wrdreg $0xC0  }
0xac: {  	_ =	task [dreg:s8], $0x5FFFF  }
0xad: {  	[dreg:$0x1] =	wrdreg $0xFFFFFFFF  }
0xae: {  	[dreg:$0x0] =	wrdreg $0x60  }
0xaf: {  	[dreg:$0x2] =	wrdreg s24  }
0xb0: {  	[dreg:$0x3] =	wrdreg s2  }
0xb1: {  	[dreg:$0x4] =	wrdreg s18  }
0xb2: {  	[dreg:$0x5] =	wrdreg $0x9  }
0xb3: {  	_ =	task.clear_ibuf [dreg:s8], $0x6FFFF;
	_ =	strace $0x90000046  }
0xb4: {  	s29 =	simm.s32 $0x9;
	_ =	strace $0x80000048  }
0xb5: {  	_ =	swait.ge [sflag:s29], $0x1  }
0xb6: {  	[sflag:s29] =	ssyncadd.s32 $0xFFFFFFFF  }
0xb7: {  	_ =	strace $0x90000048  }
0xb8: {  	_ =	sfence  }
0xb9: {  	s30 =	sld [smem:$0x0];
	_ =	sdelay $0x2  }
0xba: {  	s31 =	sshll.u32 s1, $0xD;
	s1 =	sshrl.u32 s1, $0x2  }
0xbb: {  	s3 =	sand.u32 $0x4000, s31;
	s1 =	sadd.s32 s1, s30  }
0xbc: {  	s0 =	sor.u32 s3, s0;
	s1 =	sshll.u32 s1, $0x11  }
0xbd: {  	s0 =	sor.u32 s1, s0  }
0xbe: {  	s0 =	sadd.s32 $0x8F2B, s0  }
0xbf: {  	[sflag:s0] =	ssyncadd.remote.s32 $0x1  }
0xc0: {  	_ =	sfence.sel $0xFFFF  }
0xc1: {  	[dreg:$0x0] =	wrdreg $0xFFFFFFFF;
	(pc) =	sbr.abs _section_cstart, $3  }
0xc2: {  	[dreg:$0x1] =	wrdreg $0xFFFFFFFF  }
0xc3: {  	_ =	task.clear_ibuf [dreg:s8], $0x2FFFF;
	_ =	strace $0x9FFFFFFF  }
0xc4: {  	(tm) =	ssettm $0x7FFFFFFF  }
0xc5: {  	_ =	shalt  }
tec
execute0_lowered:
.L_overlay_start_1:
0x0: {  	(tag) =	ssettag $0x1  }
0x1: {  	s5 =	rddreg [dreg:$0x0]  }
0x2: {  	s1 =	srdreg.scid;
	s2 =	rddreg [dreg:$0x1]  }
0x3: {  	s0 =	stileid.u32;
	s3 =	rddreg [dreg:$0x2]  }
0x4: {  	s4 =	simm.s32 $0x0;
	s6 =	sand.u32 $0x1, s1;
	s31 =	sshll.u32 s0, $0x1  }
0x5: {  	s10 =	simm.s32 $0x80;
	s11 =	simm.s32 $0x1C00;
	s7 =	sor.u32 s6, s31  }
0x6: {  	s12 =	simm.s32 $0x5C00;
	s13 =	simm.s32 $0x1;
	s8 =	smul.u32 $0x380, s7  }
.Ltmp0:
0x7: {  	s14 =	simm.s32 $0x2;
	s1 =	rddreg [dreg:$0x3];
	(pc) =	sbr.rel .LBB2_1-.Ltmp0, $4  }
0x8: {  	s15 =	simm.s32 $0x0;
	[smem:$0x7FF] =	sst s4;
	s6 =	ssub.s32 $0x2, s6  }
0x9: {  	s9 =	sshrl.u32 s6, $0x1;
	s8 =	sadd.s32 s8, s5;
	s5 =	smul.u32 $0x32, s7  }
0xa: {  	_ =	strace $0x80000047;
	s9 =	ssub.s32 s6, s9;
	s6 =	sadd.s32 $0x800, s8  }
0xb: {  	s8 =	smax.u32 s9, $0x1;
	s9 =	simm.s32 $0x3;
	s7 =	sor.u32 $0x1, s5  }
.LBB2_8:
0xc: {  	s15 =	sadd.s32 $0x1, s15  }
0xd: {  	p0 =	sne.s32 s15, s8  }
.Ltmp1:
0xe: {  	_ = 	snop;
	(pc) =	sbr.rel @!p0 .LBB2_9-.Ltmp1, $1  }
0xf: {  	_ =	sdelay $0x3  }
.LBB2_1:
0x10: {  	[tilespmem:s4], [sflag:$0x3] =	stream.linear.gather [hbm4b:s6+s4], $0x1900, $0x38;
	[tilespmem:$0x9C00] =	vst v63  }
0x11: {  	_ =	swait.ge [sflag:s9], $0x1900  }
0x12: {  	[sflag:s9] =	ssyncset.done $0x0  }
0x13: {  	[sflag:s9] =	ssyncadd.s32 $0xFFFFE700  }
0x14: {  	[tilespmem:s11], [sflag:$0x1] =	stream.indirect.gather [hbm4b:s2+s10], $0x80, s4, s10, $0xb8;
	[tilespmem:$0x9C00] =	vst v63  }
0x15: {  	s16 =	simm.s32 $0x0  }
0x16: {  	[tilespmem:s12], [sflag:$0x2] =	stream.indirect.gather [hbm4b:s2+s10], $0x80, s10, s10, $0xb8;
	[tilespmem:$0x9C00] =	vst v63  }
.LBB2_2:
0x17: {  	_ =	swait.ge [sflag:s13], $0x4000  }
0x18: {  	[sflag:s13] =	ssyncset.done $0x0  }
0x19: {  	s18 =	simm.s32 $0x0;
	[sflag:s13] =	ssyncadd.s32 $0xFFFFC000  }
0x1a: {  	v3 =	vld [tilespmem:s18+$0x1C00]  }
0x1b: {  	v5 =	vld [tilespmem:s18+$0x1C10]  }
0x1c: {  	v4 =	vld [tilespmem:s18+$0x1C20]  }
0x1d: {  	v2 =	vld [tilespmem:s18+$0x1C30]  }
0x1e: {  	v0 =	vld [tilespmem:s18+$0x1C40]  }
0x1f: {  	v1 =	vld [tilespmem:s18+$0x1C50];
	v6 =	vmul.f32 $1.131370830e+01, v3  }
0x20: {  	s17 =	simm.s32 $0x200;
	v5 =	vmul.f32 $1.131370830e+01, v5;
	v3 =	vld [tilespmem:s18+$0x1C60]  }
.LBB2_3:
0x21: {  	s19 =	sshra.s32 s17, $0x2;
	p0 =	sne.s32 s17, $0xFE00;
	[tilespmem:s18+$0x1C00] =	vst v6;
	v4 =	vmul.f32 $1.131370830e+01, v4;
	v6 =	vld [tilespmem:s18+$0x1C70]  }
0x22: {  	v7 =	vld [tilespmem:s19+$0x1C00];
	[tilespmem:s18+$0x1C10] =	vst v5;
	v2 =	vmul.f32 $1.131370830e+01, v2  }
0x23: {  	v5 =	vld [tilespmem:s19+$0x1C10];
	[tilespmem:s18+$0x1C20] =	vst v4;
	v0 =	vmul.f32 $1.131370830e+01, v0  }
.Ltmp2:
0x24: {  	v4 =	vld [tilespmem:s19+$0x1C20];
	[tilespmem:s18+$0x1C30] =	vst v2;
	v1 =	vmul.f32 $1.131370830e+01, v1;
	(pc) =	sbr.rel @p0 .LBB2_3-.Ltmp2, $4  }
0x25: {  	v2 =	vld [tilespmem:s19+$0x1C30];
	[tilespmem:s18+$0x1C40] =	vst v0;
	v3 =	vmul.f32 $1.131370830e+01, v3  }
0x26: {  	v0 =	vld [tilespmem:s19+$0x1C40];
	[tilespmem:s18+$0x1C50] =	vst v1;
	v8 =	vmul.f32 $1.131370830e+01, v6  }
0x27: {  	v6 =	vmul.f32 $1.131370830e+01, v7;
	v1 =	vld [tilespmem:s19+$0x1C50];
	[tilespmem:s18+$0x1C60] =	vst v3  }
0x28: {  	s17 =	sadd.s32 $0x200, s17;
	v5 =	vmul.f32 $1.131370830e+01, v5;
	v3 =	vld [tilespmem:s19+$0x1C60];
	[tilespmem:s18+$0x1C70] =	vst v8;
	s18 =	smov.u32 s19  }
0x29: {  	[tilespmem:s18+$0x1C00] =	vst v6;
	v4 =	vmul.f32 $1.131370830e+01, v4;
	v6 =	vld [tilespmem:s18+$0x1C70]  }
0x2a: {  	[tilespmem:s18+$0x1C10] =	vst v5;
	v2 =	vmul.f32 $1.131370830e+01, v2  }
0x2b: {  	[tilespmem:s18+$0x1C20] =	vst v4;
	v0 =	vmul.f32 $1.131370830e+01, v0  }
0x2c: {  	[tilespmem:s18+$0x1C30] =	vst v2;
	v1 =	vmul.f32 $1.131370830e+01, v1  }
0x2d: {  	s17 =	sshll.u32 s16, $0x1;
	[tilespmem:s18+$0x1C40] =	vst v0;
	v0 =	vmul.f32 $1.131370830e+01, v3  }
0x2e: {  	s19 =	sadd.s32 s5, s17;
	[tilespmem:s18+$0x1C50] =	vst v1;
	v1 =	vmul.f32 $1.131370830e+01, v6  }
0x2f: {  	s19 =	sshll.u32 s19, $0xB;
	[tilespmem:s18+$0x1C60] =	vst v0  }
0x30: {  	p0 =	seq.s32 s16, $0x18;
	s31 =	sadd.s32 s3, s19;
	[tilespmem:s18+$0x1C70] =	vst v1  }
0x31: {  	[hbm4b:s31+s4] =	stream.linear.scatter [tilespmem:s11], [sflag:$0x3], $0x4000, $0x38;
	[tilespmem:$0x9C00] =	vst v63  }
0x32: {  	s18 =	sshll.u32 @!p0 s16, $0x8;
	_ =	swait.ge [sflag:s9], $0x4000  }
0x33: {  	s20 =	simm.s32 @!p0 $0x1C00;
	s18 =	sand.u32 @!p0 $0x3FFFFF00, s18;
	[sflag:s9] =	ssyncset.done $0x0  }
0x34: {  	s19 =	simm.s32 @!p0 $0x80;
	s18 =	sadd.s32 @!p0 $0x100, s18;
	[sflag:s9] =	ssyncadd.s32 $0xFFFFC000  }
0x35: {  	[tilespmem:s20], [sflag:$0x1] =	stream.indirect.gather @!p0 [hbm4b:s2+s19], $0x80, s18, s19, $0xb8;
	[tilespmem:$0x9C00] =	vst v63  }
0x36: {  	_ =	swait.ge [sflag:s14], $0x4000  }
0x37: {  	[sflag:s14] =	ssyncset.done $0x0  }
0x38: {  	s18 =	simm.s32 $0x0;
	[sflag:s14] =	ssyncadd.s32 $0xFFFFC000  }
0x39: {  	v3 =	vld [tilespmem:s18+$0x5C00]  }
0x3a: {  	v5 =	vld [tilespmem:s18+$0x5C10]  }
0x3b: {  	v4 =	vld [tilespmem:s18+$0x5C20]  }
0x3c: {  	v2 =	vld [tilespmem:s18+$0x5C30]  }
0x3d: {  	v0 =	vld [tilespmem:s18+$0x5C40]  }
0x3e: {  	v1 =	vld [tilespmem:s18+$0x5C50];
	v6 =	vmul.f32 $1.131370830e+01, v3  }
0x3f: {  	s19 =	simm.s32 $0x200;
	v5 =	vmul.f32 $1.131370830e+01, v5;
	v3 =	vld [tilespmem:s18+$0x5C60]  }
.LBB2_5:
0x40: {  	s20 =	sshra.s32 s19, $0x2;
	p1 =	sne.s32 s19, $0xFE00;
	[tilespmem:s18+$0x5C00] =	vst v6;
	v4 =	vmul.f32 $1.131370830e+01, v4;
	v6 =	vld [tilespmem:s18+$0x5C70]  }
0x41: {  	v7 =	vld [tilespmem:s20+$0x5C00];
	[tilespmem:s18+$0x5C10] =	vst v5;
	v2 =	vmul.f32 $1.131370830e+01, v2  }
0x42: {  	v5 =	vld [tilespmem:s20+$0x5C10];
	[tilespmem:s18+$0x5C20] =	vst v4;
	v0 =	vmul.f32 $1.131370830e+01, v0  }
.Ltmp3:
0x43: {  	v4 =	vld [tilespmem:s20+$0x5C20];
	[tilespmem:s18+$0x5C30] =	vst v2;
	v1 =	vmul.f32 $1.131370830e+01, v1;
	(pc) =	sbr.rel @p1 .LBB2_5-.Ltmp3, $4  }
0x44: {  	v2 =	vld [tilespmem:s20+$0x5C30];
	[tilespmem:s18+$0x5C40] =	vst v0;
	v3 =	vmul.f32 $1.131370830e+01, v3  }
0x45: {  	v0 =	vld [tilespmem:s20+$0x5C40];
	[tilespmem:s18+$0x5C50] =	vst v1;
	v8 =	vmul.f32 $1.131370830e+01, v6  }
0x46: {  	v6 =	vmul.f32 $1.131370830e+01, v7;
	v1 =	vld [tilespmem:s20+$0x5C50];
	[tilespmem:s18+$0x5C60] =	vst v3  }
0x47: {  	s19 =	sadd.s32 $0x200, s19;
	v5 =	vmul.f32 $1.131370830e+01, v5;
	v3 =	vld [tilespmem:s20+$0x5C60];
	[tilespmem:s18+$0x5C70] =	vst v8;
	s18 =	smov.u32 s20  }
0x48: {  	[tilespmem:s18+$0x5C00] =	vst v6;
	v4 =	vmul.f32 $1.131370830e+01, v4;
	v61 =	vld [tilespmem:s18+$0x5C70]  }
0x49: {  	[tilespmem:s18+$0x5C10] =	vst v5;
	v2 =	vmul.f32 $1.131370830e+01, v2  }
0x4a: {  	[tilespmem:s18+$0x5C20] =	vst v4;
	v0 =	vmul.f32 $1.131370830e+01, v0  }
0x4b: {  	[tilespmem:s18+$0x5C30] =	vst v2;
	v1 =	vmul.f32 $1.131370830e+01, v1  }
0x4c: {  	s17 =	sadd.s32 s17, s7;
	[tilespmem:s18+$0x5C40] =	vst v0;
	v62 =	vmul.f32 $1.131370830e+01, v3  }
0x4d: {  	s17 =	sshll.u32 s17, $0xB;
	[tilespmem:s18+$0x5C50] =	vst v1;
	v63 =	vmul.f32 $1.131370830e+01, v61  }
0x4e: {  	s17 =	sand.u32 $0x1FFFF800, s17;
	[tilespmem:s18+$0x5C60] =	vst v62  }
.Ltmp4:
0x4f: {  	s17 =	sadd.s32 s3, s17;
	[tilespmem:s18+$0x5C70] =	vst v63;
	(pc) =	sbr.rel @p0 .LBB2_8-.Ltmp4, $4  }
0x50: {  	[hbm4b:s17+s4] =	stream.linear.scatter [tilespmem:s12], [sflag:$0x3], $0x4000, $0x38;
	[tilespmem:$0x9C00] =	vst v63  }
0x51: {  	_ =	swait.ge [sflag:s9], $0x4000  }
0x52: {  	[sflag:s9] =	ssyncset.done $0x0  }
0x53: {  	[sflag:s9] =	ssyncadd.s32 $0xFFFFC000  }
.Ltmp5:
0x54: {  	(pc) =	sbr.rel .LBB2_2-.Ltmp5, $4  }
0x55: {  	s17 =	sshll.u32 s16, $0x8  }
0x56: {  	s17 =	sand.u32 $0x3FFFFF00, s17  }
0x57: {  	s16 =	sadd.s32 $0x1, s16;
	s17 =	sadd.s32 $0x180, s17  }
0x58: {  	[tilespmem:s12], [sflag:$0x2] =	stream.indirect.gather [hbm4b:s2+s10], $0x80, s17, s10, $0xb8;
	[tilespmem:$0x9C00] =	vst v63  }
.LBB2_9:
0x59: {  	_ =	sfence.sel $0x180000  }
0x5a: {  	[bflag:$0x0] =	sbarrier.arrive $0xFFFF  }
0x5b: {  	p0 =	sne.s32 s0, $0x0;
	_ =	strace $0x90000047  }
0x5c: {  	s0 =	sadd.s32 @!p0 $0x100000, s1;
	[bflag:$0x2] =	sbarrier.arrive $0xFFFF  }
0x5d: {  	[sflag:s0] =	ssyncadd.tile.s32 @!p0 $0x1;
	_ =	shalt  }
.Lfunc_end2:
_tile_overlayer_lowered:
.L_overlay_start_2:
0x5e: {  	(tag) =	ssettag $0x2  }
0x5f: {  	s0 =	rddreg [dreg:$0x0];
	s2 =	stileid.u32  }
0x60: {  	s1 =	rddreg [dreg:$0x1];
	p0 =	sne.s32 s2, $0x0  }
0x61: {  	s3 =	rddreg [dreg:$0x2];
	[bflag:$0x3] =	sbarrier.arrive $0xFFFF;
	s2 =	simm.s32 @!p0 $0x1C03  }
0x62: {  	[timem:s3], [sflag:s2] =	dma.local @!p0 [hbm:s0], s1  }
0x63: {  	s0 =	simm.s32 @!p0 $0x3  }
0x64: {  	_ =	swait.ge @!p0 [sflag:s0], s1  }
0x65: {  	s1 =	ssub.s32 @!p0 $0x0, s1;
	[sflag:s0] =	ssyncset.done @!p0 $0x0  }
0x66: {  	[sflag:s0] =	ssyncadd.s32 @!p0 s1  }
0x67: {  	[bflag:$0x3] =	sbarrier.arrive $0xFFFF  }
0x68: {  	_ =	shalt  }

// kernel: sparse-core-data-format-call.cloned.1.call-start
scs
called_computation_lowered:
.L_overlay_start_0:
0x0: {  	s2 =	sld [smem:$0x3FD9]  }
0x1: {  	s3 =	sld [smem:$0x3FFE];
	_ =	sdelay $0x1  }
0x2: {  	s1 =	srdreg.scid  }
0x3: {  	s0 =	sand.u32 $0x1, s1  }
0x4: {  	s18 =	sshll.u32 s0, $0xA;
	s2 =	sadd.s32 s3, s2  }
0x5: {  	s2 =	sadd.s32 s2, s18  }
0x6: {  	[smem:$0x3FC6] =	sst s2  }
0x7: {  	_ = 	snop  }
0x8: {  	s2 =	sld [smem:$0x3FD0];
	(tm) =	ssettm $0x1  }
0x9: {  	s19 =	sld [smem:$0x3FFB];
	_ =	sdelay $0x3  }
0xa: {  	_ =	strace s19  }
0xb: {  	s3 =	sld [smem:$0x3FFC];
	_ =	sdelay $0x3  }
0xc: {  	_ =	strace s3  }
0xd: {  	s3 =	sld [smem:$0x3FFD];
	_ =	sdelay $0x3  }
0xe: {  	_ =	strace s3  }
0xf: {  	_ =	strace $0x8FFFFFFF  }
0x10: {  	s20 =	sld [smem:$0x3FDB];
	_ =	sdelay $0x1  }
0x11: {  	s4 =	simm.s32 $_scs_section_size  }
0x12: {  	s5 =	simm.s32 $_size__tile_overlayer_lowered;
	s6 =	simm.s32 $_tile_overlayer_lowered  }
0x13: {  	s23 =	simm.s32 $0x1BFF;
	s22 =	sshll.u32 s6, $0x1;
	s3 =	sadd.s32 s4, s20  }
0x14: {  	s7 =	simm.s32 $0x0;
	s21 =	sshll.u32 s5, $0x1;
	s5 =	sadd.s32 s22, s3  }
0x15: {  	[timem:s7], [sflag:s23] =	dma.local [hbm:s5], s21  }
0x16: {  	_ =	swait.ge [sflag:s23], s21  }
0x17: {  	s4 =	ssub.s32 $0x0, s21;
	[sflag:s23] =	ssyncset.done $0x0  }
0x18: {  	[sflag:s23] =	ssyncadd.s32 s4;
	_ =	sdelay $0x1  }
0x19: {  	s24 =	simm.s32 $0x1B8B  }
0x1a: {  	_ =	swait.ge [sflag:s24], $0x1  }
0x1b: {  	[sflag:s24] =	ssyncset.done $0x0  }
0x1c: {  	s26 =	simm.s32 $0x1B8E;
	s25 =	sld [smem:$0x3FFE];
	[sflag:s24] =	ssyncadd.s32 $0xFFFFFFFF  }
0x1d: {  	s27 =	simm.s32 $execute0_lowered;
	[smem:$0x3FD2] =	sst s26  }
0x1e: {  	s5 =	sshll.u32 s27, $0x1;
	_ =	strace $0x80000049;
	[dreg:$0x1] =	wrdreg $0xFFFFFFFF  }
0x1f: {  	s28 =	simm.s32 $_size_execute0_lowered;
	s3 =	sadd.s32 s3, s5;
	[dreg:$0x0] =	wrdreg $0x0  }
0x20: {  	s5 =	sshll.u32 s28, $0x1;
	[dreg:$0x2] =	wrdreg s3  }
0x21: {  	[dreg:$0x3] =	wrdreg s5  }
0x22: {  	[dreg:$0x4] =	wrdreg $0xC0  }
0x23: {  	_ =	task [dreg:s7], $0x5FFFF  }
0x24: {  	[dreg:$0x1] =	wrdreg $0xFFFFFFFF  }
0x25: {  	[dreg:$0x0] =	wrdreg $0x60  }
0x26: {  	[dreg:$0x2] =	wrdreg s25  }
0x27: {  	[dreg:$0x3] =	wrdreg s2  }
0x28: {  	[dreg:$0x4] =	wrdreg $0x9  }
0x29: {  	_ =	task.clear_ibuf [dreg:s7], $0x5FFFF;
	_ =	strace $0x90000049  }
0x2a: {  	s29 =	simm.s32 $0x9;
	_ =	strace $0x8000004B  }
0x2b: {  	_ =	swait.ge [sflag:s29], $0x1  }
0x2c: {  	[sflag:s29] =	ssyncadd.s32 $0xFFFFFFFF  }
0x2d: {  	_ =	strace $0x9000004B  }
0x2e: {  	_ =	sfence  }
0x2f: {  	s30 =	sld [smem:$0x0];
	_ =	sdelay $0x2  }
0x30: {  	s31 =	sshll.u32 s1, $0xD;
	s1 =	sshrl.u32 s1, $0x2  }
0x31: {  	s3 =	sand.u32 $0x4000, s31;
	s1 =	sadd.s32 s1, s30  }
0x32: {  	s0 =	sor.u32 s3, s0;
	s1 =	sshll.u32 s1, $0x11  }
0x33: {  	s0 =	sor.u32 s1, s0  }
0x34: {  	s0 =	sadd.s32 $0x8F2B, s0  }
0x35: {  	[sflag:s0] =	ssyncadd.remote.s32 $0x1  }
0x36: {  	_ =	sfence.sel $0xFFFF  }
0x37: {  	[dreg:$0x0] =	wrdreg $0xFFFFFFFF;
	(pc) =	sbr.abs _section_cstart, $3  }
0x38: {  	[dreg:$0x1] =	wrdreg $0xFFFFFFFF  }
0x39: {  	_ =	task.clear_ibuf [dreg:s7], $0x2FFFF;
	_ =	strace $0x9FFFFFFF  }
0x3a: {  	(tm) =	ssettm $0x7FFFFFFF  }
0x3b: {  	_ =	shalt  }
tec
execute0_lowered:
.L_overlay_start_1:
0x0: {  	(tag) =	ssettag $0x1  }
0x1: {  	s0 =	srdreg.scid  }
0x2: {  	s1 =	sshll.u32 s0, $0x4  }
0x3: {  	s0 =	stileid.u32;
	s1 =	sand.u32 $0x10, s1  }
0x4: {  	s1 =	sor.u32 s0, s1  }
0x5: {  	s6 =	rddreg [dreg:$0x0];
	s4 =	simm.s32 $0x1;
	s2 =	sshll.u32 s1, $0x6  }
0x6: {  	s7 =	simm.s32 $0x2;
	s13 =	simm.s32 $0x0;
	s1 =	ssub.s32 $0x1000, s2  }
0x7: {  	s8 =	simm.s32 $0x2000;
	s9 =	simm.s32 $0x80000;
	s3 =	sand.u32 $0x7C0, s1  }
0x8: {  	s14 =	simm.s32 $0x0;
	s5 =	sshrl.u32 s1, $0xB;
	p0 =	sne.s32 s3, $0x0  }
.Ltmp0:
0x9: {  	s1 =	rddreg [dreg:$0x2];
	s4 =	simm.s32 @!p0 $0x0;
	(pc) =	sbr.rel .LBB1_1-.Ltmp0, $4  }
0xa: {  	s10 =	simm.s32 $0x0;
	s3 =	rddreg [dreg:$0x1];
	s5 =	sadd.s32 s4, s5  }
0xb: {  	_ =	strace $0x8000004A;
	s4 =	simm.s32 $0x1;
	s5 =	smul.u32 $0x19, s5  }
0xc: {  	s12 =	simm.s32 $0x0;
	s6 =	sadd.s32 $0x800, s6;
	[sflag:s4] =	ssyncpa.u1 $0x0  }
0xd: {  	s11 =	smov.u32 s2;
	[sflag:s7] =	ssyncpa.u1 $0x0;
	s7 =	sadd.s32 $0x1, s5  }
.LBB1_7:
0xe: {  	s15 =	sadd.s32 $0x2, s10  }
0xf: {  	s13 =	sadd.s32 $0x800, s11;
	s17 =	smov.u32 s11;
	p1 =	sgt.s32 s15, $0x31  }
0x10: {  	s17 =	smov.u32 @p1 s13  }
0x11: {  	s15 =	simm.s32 @p1 $0x0;
	p1 =	sgt.s32 s17, $0xFFF  }
0x12: {  	s17 =	smov.u32 @p1 s2;
	p1 =	sne.s32 s12, s7  }
.Ltmp1:
0x13: {  	p0 =	slt.u32 s12, $0x2;
	(pc) =	sbr.rel @!p1 .LBB1_8-.Ltmp1, $4  }
0x14: {  	s16 =	simm.s32 @!p0 $0x2  }
0x15: {  	s14 =	smov.u32 s11;
	_ =	swait.ge @!p0 [sflag:s16], $0x4000  }
0x16: {  	s13 =	smov.u32 s10;
	[sflag:s16] =	ssyncset.done @!p0 $0x0;
	s10 =	smov.u32 s15  }
0x17: {  	s12 =	sadd.s32 $0x1, s12;
	[sflag:s16] =	ssyncadd.s32 @!p0 $0xFFFFC000;
	s11 =	smov.u32 s17  }
.LBB1_1:
0x18: {  	p0 =	sge.u32 s12, s5  }
0x19: {  	s15 =	sand.u32 @!p0 $0x1FFFFFF, s10  }
0x1a: {  	s16 =	smulhi.u32 @!p0 $0x4924925, s15;
	_ =	sdelay $0x1  }
0x1b: {  	s16 =	smul.u32 @!p0 $0x38, s16  }
0x1c: {  	s17 =	sxor.u32 @!p0 $0xFFFFFFFF, s12;
	s18 =	smul.u32 @!p0 $0x380, s11  }
0x1d: {  	s31 =	sadd.s32 $0xFFFFFFFF, s12;
	s17 =	sshll.u32 @!p0 s17, $0xE;
	s15 =	ssub.s32 @!p0 s15, s16  }
0x1e: {  	s16 =	sand.u32 @!p0 $0x4000, s17;
	s17 =	sadd.s32 @!p0 s6, s18;
	s15 =	sshll.u32 @!p0 s15, $0x4  }
0x1f: {  	s18 =	simm.s32 @!p0 $0x1C00;
	s15 =	sadd.s32 @!p0 s15, s17;
	s17 =	simm.s32 @!p0 $0x100  }
0x20: {  	[tilespmem:s16], [sflag:$0x1] =	stream.strided.gather @!p0 [hbm4b:s15+s17], $0x4000, s18, s17, $0x38;
	[tilespmem:$0x10000] =	vst v63  }
0x21: {  	p0 =	sge.u32 s31, s5  }
.Ltmp2:
0x22: {  	_ = 	snop;
	(pc) =	sbr.rel @p0 .LBB1_7-.Ltmp2, $1  }
0x23: {  	_ =	sdelay $0x3  }
0x24: {  	_ =	swait.ge [sflag:s4], $0x4000;
	s15 =	sshll.u32 s12, $0xE  }
0x25: {  	[sflag:s4] =	ssyncset.done $0x0;
	s16 =	sand.u32 $0x4000, s15  }
0x26: {  	s17 =	simm.s32 $0x0;
	[sflag:s4] =	ssyncadd.s32 $0xFFFFC000;
	s15 =	sor.u32 $0x8000, s16  }
.LBB1_3:
0x27: {  	s18 =	sshll.u32 s17, $0x8  }
0x28: {  	s18 =	sand.u32 $0x3FFFFF00, s18  }
0x29: {  	s19 =	sshll.u32 s17, $0x7;
	s18 =	sadd.s32 s18, s16  }
0x2a: {  	s19 =	sand.u32 $0x3FFFFF80, s19;
	v0 =	vmov s18  }
0x2b: {  	s19 =	sadd.s32 s19, s15  }
0x2c: {  	p0 =	por $0x1, $0x1;
	v1 =	vmov s19;
	s18 =	simm.s32 $0x0  }
.LBB1_4:
0x2d: {  	s19 =	sshll.u32 s18, $0x7  }
0x2e: {  	s19 =	sand.u32 $0x3FFFFF80, s19  }
0x2f: {  	v2 =	vld.idx.msk [tilespmem:v0+s19+$0x0 ss:$0x1], $0xffff  }
0x30: {  	v3 =	vld.idx.msk [tilespmem:v0+s19+$0x10 ss:$0x1], $0xffff  }
0x31: {  	v4 =	vld.idx.msk [tilespmem:v0+s19+$0x20 ss:$0x1], $0xffff  }
0x32: {  	s31 =	sshll.u32 s18, $0xD;
	v5 =	vld.idx.msk [tilespmem:v0+s19+$0x30 ss:$0x1], $0xffff  }
0x33: {  	s18 =	sand.u32 $0x3FFFE000, s31;
	v6 =	vld.idx.msk [tilespmem:v0+s19+$0x40 ss:$0x1], $0xffff  }
0x34: {  	v63 =	vld.idx.msk [tilespmem:v0+s19+$0x70 ss:$0x1], $0xffff;
	[tilespmem:v1+s18+$0x0 ss:$0x1] =	vst.idx.msk $0xffff, v2  }
0x35: {  	v2 =	vld.idx.msk [tilespmem:v0+s19+$0x50 ss:$0x1], $0xffff;
	[tilespmem:v1+s18+$0x10 ss:$0x1] =	vst.idx.msk $0xffff, v3  }
0x36: {  	p1 =	por p0, p0;
	v3 =	vld.idx.msk [tilespmem:v0+s19+$0x60 ss:$0x1], $0xffff;
	[tilespmem:v1+s18+$0x20 ss:$0x1] =	vst.idx.msk $0xffff, v4  }
.Ltmp3:
0x37: {  	[tilespmem:v1+s18+$0x30 ss:$0x1] =	vst.idx.msk $0xffff, v5;
	(pc) =	sbr.rel @p1 .LBB1_4-.Ltmp3, $4  }
0x38: {  	[tilespmem:v1+s18+$0x40 ss:$0x1] =	vst.idx.msk $0xffff, v6  }
0x39: {  	[tilespmem:v1+s18+$0x70 ss:$0x1] =	vst.idx.msk $0xffff, v63  }
0x3a: {  	[tilespmem:v1+s18+$0x50 ss:$0x1] =	vst.idx.msk $0xffff, v2  }
0x3b: {  	p0 =	por $0x0, $0x0;
	[tilespmem:v1+s18+$0x60 ss:$0x1] =	vst.idx.msk $0xffff, v3;
	s18 =	simm.s32 $0x1  }
0x3c: {  	s17 =	sadd.s32 $0x1, s17  }
0x3d: {  	p0 =	sne.s32 s17, $0x40  }
.Ltmp4:
0x3e: {  	_ = 	snop;
	(pc) =	sbr.rel @p0 .LBB1_3-.Ltmp4, $1  }
0x3f: {  	_ =	sdelay $0x3  }
.Ltmp5:
0x40: {  	s14 =	sshll.u32 s14, $0x4;
	(pc) =	sbr.rel .LBB1_7-.Ltmp5, $4  }
0x41: {  	s14 =	sand.u32 $0xFFF0, s14  }
0x42: {  	s13 =	sshll.u32 s13, $0x10;
	s14 =	sadd.s32 s3, s14  }
0x43: {  	s13 =	sadd.s32 s13, s14  }
0x44: {  	[hbm4b:s13+s8] =	stream.strided.scatter [tilespmem:s15], [sflag:$0x2], $0x4000, s9, s8, $0x38;
	[tilespmem:$0x10000] =	vst v63  }
.LBB1_8:
0x45: {  	_ =	sfence.sel $0x180000  }
0x46: {  	s2 =	simm.s32 $0x1;
	[bflag:$0x0] =	sbarrier.arrive $0xFFFF  }
0x47: {  	s31 =	simm.s32 $0x2;
	[sflag:s2] =	ssyncpa.u1 $0x1  }
0x48: {  	[sflag:s31] =	ssyncpa.u1 $0x1  }
0x49: {  	p0 =	sne.s32 s0, $0x0;
	_ =	strace $0x9000004A  }
0x4a: {  	s0 =	sadd.s32 @!p0 $0x100000, s1;
	[bflag:$0x2] =	sbarrier.arrive $0xFFFF  }
0x4b: {  	[sflag:s0] =	ssyncadd.tile.s32 @!p0 $0x1;
	_ =	shalt  }
.Lfunc_end1:
_tile_overlayer_lowered:
.L_overlay_start_2:
0x4c: {  	(tag) =	ssettag $0x2  }
0x4d: {  	s0 =	rddreg [dreg:$0x0];
	s2 =	stileid.u32  }
0x4e: {  	s1 =	rddreg [dreg:$0x1];
	p0 =	sne.s32 s2, $0x0  }
0x4f: {  	s3 =	rddreg [dreg:$0x2];
	[bflag:$0x3] =	sbarrier.arrive $0xFFFF;
	s2 =	simm.s32 @!p0 $0x1C01  }
0x50: {  	[timem:s3], [sflag:s2] =	dma.local @!p0 [hbm:s0], s1  }
0x51: {  	s0 =	simm.s32 @!p0 $0x1  }
0x52: {  	_ =	swait.ge @!p0 [sflag:s0], s1  }
0x53: {  	s1 =	ssub.s32 @!p0 $0x0, s1;
	[sflag:s0] =	ssyncset.done @!p0 $0x0  }
0x54: {  	[sflag:s0] =	ssyncadd.s32 @!p0 s1  }
0x55: {  	[bflag:$0x3] =	sbarrier.arrive $0xFFFF  }
0x56: {  	_ =	shalt  }

</sc_bundles>
